<compile_context>
chip_gen: v7x
topology: tpu7x:2x2x1
jax: 0.10.2.dev20260603
libtpu: 0.0.44.dev20260713+nightly
codegen_flags: <defaults>
</compile_context>

<pallas_src>
import functools

import jax
import jax.numpy as jnp
from jax import lax
from jax.experimental import pallas as pl
from jax.experimental.pallas import tpu as pltpu
from jax.experimental.pallas import tpu_sc as plsc

_B = 16384
_D = 128
_NC = 2
_NS = 16
_NW = _NC * _NS
_BPW = _B // _NW

_BS = 8192
_GRID = _B // _BS


_CH = 256
_NCH = _BPW // _CH


def _sc_gather(table, idx):
    mesh = plsc.VectorSubcoreMesh(core_axis_name="c", subcore_axis_name="s")

    @functools.partial(
        pl.kernel,
        mesh=mesh,
        out_type=jax.ShapeDtypeStruct((_B, _D), jnp.float32),
        scratch_types=[
            pltpu.VMEM((_BPW,), jnp.int32),
            pltpu.VMEM((_CH, _D), jnp.float32),
            pltpu.VMEM((_CH, _D), jnp.float32),
            pltpu.SemaphoreType.DMA,
            pltpu.SemaphoreType.DMA,
        ],
    )
    def k(table_hbm, idx_hbm, out_hbm, idx_v, buf0, buf1, sem0, sem1):
        wid = lax.axis_index("s") * _NC + lax.axis_index("c")
        base = wid * _BPW
        bufs = (buf0, buf1)
        sems = (sem0, sem1)
        pltpu.sync_copy(idx_hbm.at[pl.ds(base, _BPW)], idx_v)
        handles = [None, None]
        handles[0] = pltpu.async_copy(
            table_hbm.at[idx_v.at[pl.ds(0, _CH)]], buf0, sem0)
        for c in range(_NCH):
            nxt = c + 1
            if nxt < _NCH:
                handles[nxt % 2] = pltpu.async_copy(
                    table_hbm.at[idx_v.at[pl.ds(nxt * _CH, _CH)]],
                    bufs[nxt % 2], sems[nxt % 2])
            handles[c % 2].wait()
            pltpu.sync_copy(bufs[c % 2],
                            out_hbm.at[pl.ds(base + c * _CH, _CH)])

    return k(table, idx)


def _tc_body(xT_ref, idx_ref, epc_ref, W1T_ref, b1_ref,
             EcmsT_ref, EfnfT_ref, W2T_ref, b2_ref, o_ref):
    f1T = jnp.dot(W1T_ref[...], xT_ref[...],
                  preferred_element_type=jnp.float32) + b1_ref[...]
    f1T = jnp.where(f1T >= 0, f1T, 0.01 * f1T)

    idxb = idx_ref[0]
    ohcT = (idxb[0:1, :] == lax.broadcasted_iota(jnp.int32, (4, _BS), 0)
            ).astype(jnp.float32)
    ohfT = (idxb[1:2, :] == lax.broadcasted_iota(jnp.int32, (8, _BS), 0)
            ).astype(jnp.float32)

    W2T = W2T_ref[...]
    TcmsT = jnp.dot(W2T[:, 64:96], EcmsT_ref[...],
                    preferred_element_type=jnp.float32)
    TfnfT = jnp.dot(W2T[:, 96:128], EfnfT_ref[...],
                    preferred_element_type=jnp.float32)

    acc = jnp.dot(W2T[:, 0:64], f1T, preferred_element_type=jnp.float32)
    acc += jnp.dot(TcmsT, ohcT, preferred_element_type=jnp.float32)
    acc += jnp.dot(TfnfT, ohfT, preferred_element_type=jnp.float32)
    acc += lax.dot_general(W2T[:, 128:256], epc_ref[...],
                           (((1,), (1,)), ((), ())),
                           preferred_element_type=jnp.float32)
    o_ref[...] = jnp.tanh(acc + b2_ref[...])


def kernel(x, idx_cms, idx_fnf, idx_pc, W1, b1, E_cms, E_fnf, E_pc, W2, b2):
    e_pc = _sc_gather(E_pc, idx_pc.reshape(_B))

    idx2 = jnp.stack([idx_cms.reshape(_GRID, _BS),
                      idx_fnf.reshape(_GRID, _BS)], axis=1)
    xT = x.T
    W1T = W1.T
    W2T = W2.T
    EcmsT = E_cms.T
    EfnfT = jnp.zeros((32, 8), jnp.float32).at[:, :5].set(E_fnf.T)
    b1c = b1.reshape(64, 1)
    b2c = b2.reshape(64, 1)

    full = lambda i: (0, 0)
    yT = pl.pallas_call(
        _tc_body,
        grid=(_GRID,),
        in_specs=[
            pl.BlockSpec((3, _BS), lambda i: (0, i)),
            pl.BlockSpec((1, 2, _BS), lambda i: (i, 0, 0)),
            pl.BlockSpec((_BS, _D), lambda i: (i, 0)),
            pl.BlockSpec((64, 3), full),
            pl.BlockSpec((64, 1), full),
            pl.BlockSpec((32, 4), full),
            pl.BlockSpec((32, 8), full),
            pl.BlockSpec((64, 256), full),
            pl.BlockSpec((64, 1), full),
        ],
        out_specs=pl.BlockSpec((64, _BS), lambda i: (0, i)),
        out_shape=jax.ShapeDtypeStruct((64, _B), jnp.float32),
    )(xT, idx2, e_pc, W1T, b1c, EcmsT, EfnfT, W2T, b2c)
    return yT.T

# --- scband reference (transcript-rebuilt; emitter-appended) ---
"""Pipeline reference for scband-vector-28458453303645 (READ-ONLY COPY).

The authoritative reference and input builder live on the scoring server;
editing this copy changes nothing except your own understanding.
"""

import jax, jax.numpy as jnp
import numpy as np

B = 16384

def setup_inputs(seed: int = 0) -> dict:
    key = jax.random.key(seed)
    ks = jax.random.split(key, 12)
    x = jax.random.normal(ks[0], (B, 3), dtype=jnp.float32)
    idx_cms = jax.random.randint(ks[1], (1, B), 0, 4, dtype=jnp.int64) if jax.config.jax_enable_x64 else jax.random.randint(ks[1], (1, B), 0, 4).astype(jnp.int32)
    idx_fnf = jax.random.randint(ks[2], (1, B), 0, 5).astype(jnp.int32)
    idx_pc = jax.random.randint(ks[3], (1, B), 0, 352899).astype(jnp.int32)
    idx_cms = idx_cms.astype(jnp.int32)
    W1 = jax.random.normal(ks[4], (3, 64), dtype=jnp.float32) * 0.3
    b1 = jax.random.normal(ks[5], (64,), dtype=jnp.float32) * 0.01
    E_cms = jax.random.normal(ks[6], (4, 32), dtype=jnp.float32)
    E_fnf = jax.random.normal(ks[7], (5, 32), dtype=jnp.float32)
    E_pc = jax.random.normal(ks[8], (352899, 128), dtype=jnp.float32)
    W2 = jax.random.normal(ks[9], (64 + 32 + 32 + 128, 64), dtype=jnp.float32) * 0.06
    b2 = jax.random.normal(ks[10], (64,), dtype=jnp.float32) * 0.01
    return {"x": x, "idx_cms": idx_cms, "idx_fnf": idx_fnf, "idx_pc": idx_pc,
            "W1": W1, "b1": b1, "E_cms": E_cms, "E_fnf": E_fnf, "E_pc": E_pc,
            "W2": W2, "b2": b2}

def leaky_relu(h):
    return jnp.where(h >= 0, h, 0.01 * h)

def reference(x, idx_cms, idx_fnf, idx_pc, W1, b1, E_cms, E_fnf, E_pc, W2, b2):
    # default(f1): Linear(3,64) + LeakyReLU (Dropout is identity in eval)
    f1 = leaky_relu(x @ W1 + b1)                      # [B, 64]
    # embedding lookups on [1, B] indices, then squeeze(0)
    e_cms = jnp.take(E_cms, idx_cms, axis=0).squeeze(0)   # [B, 32]
    e_fnf = jnp.take(E_fnf, idx_fnf, axis=0).squeeze(0)   # [B, 32]
    e_pc = jnp.take(E_pc, idx_pc, axis=0).squeeze(0)      # [B, 128]
    v = jnp.concatenate([f1, e_cms, e_fnf, e_pc], axis=1)  # [B, 256]
    # default(f2): Linear(256,64) + Tanh (Dropout identity in eval)
    y = jnp.tanh(v @ W2 + b2)
    return y

if __name__ == "__main__":
    import jax
    _d = setup_inputs()
    print(jax.jit(kernel)(*tuple(_d.values())))

</pallas_src>

<mosaic_0001>
#map = affine_map<(d0, d1) -> (0, 0)>
#map1 = affine_map<(d0, d1) -> (0)>
module attributes {stable_mosaic.version = 14 : i64} {
  func.func @k(%arg0: i32, %arg1: i32, %arg2: memref<352899x128xf32, #tpu.memory_space<hbm>>, %arg3: memref<16384xi32, #tpu.memory_space<hbm>>, %arg4: memref<16384x128xf32, #tpu.memory_space<hbm>>, %arg5: memref<512xi32, #tpu.memory_space<vmem>>, %arg6: memref<256x128xf32, #tpu.memory_space<vmem>>, %arg7: memref<256x128xf32, #tpu.memory_space<vmem>>, %arg8: memref<!tpu.dma_semaphore, #tpu.memory_space<semaphore_mem>>, %arg9: memref<!tpu.dma_semaphore, #tpu.memory_space<semaphore_mem>>) attributes {dimension_semantics = [#tpu.dimension_semantics<core_parallel>, #tpu.dimension_semantics<subcore_parallel>], iteration_bounds = array<i64: 2, 16>, scalar_prefetch = 0 : i64, scratch_operands = 5 : i64, tpu.core_type = #tpu.core_type<sc_vector_subcore>, window_params = [{transform_indices = #map}, {transform_indices = #map1}, {transform_indices = #map}]} {
    %mul3A = arith.constant 2 : i32
    %mul3A_0 = arith.muli %arg1, %mul3A : i32
    %add3A = arith.addi %mul3A_0, %arg0 : i32
    %mul3A_1 = arith.constant 512 : i32
    %mul3A_2 = arith.muli %add3A, %mul3A_1 : i32
    "tpu.region"() ({
      %run_scoped3A = tpu.sem_alloc : memref<!tpu.dma_semaphore, #tpu.memory_space<semaphore_mem>>
      %dma_start3A_25 = tpu.memref_slice %arg3[%mul3A_2] : memref<16384xi32, #tpu.memory_space<hbm>> -> memref<512xi32, #tpu.memory_space<hbm>>
      %dma_start3A_26 = tpu.memref_slice %arg3[%mul3A_2] : memref<16384xi32, #tpu.memory_space<hbm>> -> memref<512xi32, #tpu.memory_space<hbm>>
      tpu.enqueue_dma source(%dma_start3A_26 : memref<512xi32, #tpu.memory_space<hbm>>) target(%arg5 : memref<512xi32, #tpu.memory_space<vmem>>) target_semaphore(%run_scoped3A : memref<!tpu.dma_semaphore, #tpu.memory_space<semaphore_mem>>)
      %dma_wait3A_27 = tpu.memref_slice %arg3[%mul3A_2] : memref<16384xi32, #tpu.memory_space<hbm>> -> memref<512xi32, #tpu.memory_space<hbm>>
      %dma_wait3A_28 = tpu.memref_slice %arg3[%mul3A_2] : memref<16384xi32, #tpu.memory_space<hbm>> -> memref<512xi32, #tpu.memory_space<hbm>>
      tpu.wait_dma2 semaphore(%run_scoped3A : memref<!tpu.dma_semaphore, #tpu.memory_space<semaphore_mem>>) src(%dma_wait3A_28 : memref<512xi32, #tpu.memory_space<hbm>>) dst(%arg5 : memref<512xi32, #tpu.memory_space<vmem>>)
      tpu.yield
    }) : () -> ()
    %dma_start3A = arith.constant 0 : i32
    %dma_start3A_3 = tpu.memref_slice %arg5[%dma_start3A] : memref<512xi32, #tpu.memory_space<vmem>> -> memref<256xi32, #tpu.memory_space<vmem>>
    %dma_start3A_4 = arith.constant 0 : i32
    %dma_start3A_5 = arith.constant 0 : i32
    %dma_start3A_6 = tpu.memref_slice %arg2[%dma_start3A_4, %dma_start3A_5] : memref<352899x128xf32, #tpu.memory_space<hbm>> -> memref<352899x128xf32, #tpu.memory_space<hbm>>
    tpu.enqueue_indirect_dma source(%dma_start3A_6 : memref<352899x128xf32, #tpu.memory_space<hbm>>) target(%arg6 : memref<256x128xf32, #tpu.memory_space<vmem>>) offsets(%dma_start3A_3 : memref<256xi32, #tpu.memory_space<vmem>>) semaphore(%arg8 : memref<!tpu.dma_semaphore, #tpu.memory_space<semaphore_mem>>)
    %dma_start3A_7 = arith.constant 256 : i32
    %dma_start3A_8 = tpu.memref_slice %arg5[%dma_start3A_7] : memref<512xi32, #tpu.memory_space<vmem>> -> memref<256xi32, #tpu.memory_space<vmem>>
    %dma_start3A_9 = arith.constant 0 : i32
    %dma_start3A_10 = arith.constant 0 : i32
    %dma_start3A_11 = tpu.memref_slice %arg2[%dma_start3A_9, %dma_start3A_10] : memref<352899x128xf32, #tpu.memory_space<hbm>> -> memref<352899x128xf32, #tpu.memory_space<hbm>>
    tpu.enqueue_indirect_dma source(%dma_start3A_11 : memref<352899x128xf32, #tpu.memory_space<hbm>>) target(%arg7 : memref<256x128xf32, #tpu.memory_space<vmem>>) offsets(%dma_start3A_8 : memref<256xi32, #tpu.memory_space<vmem>>) semaphore(%arg9 : memref<!tpu.dma_semaphore, #tpu.memory_space<semaphore_mem>>)
    %dma_wait3A = arith.constant 0 : i32
    %dma_wait3A_12 = tpu.memref_slice %arg5[%dma_wait3A] : memref<512xi32, #tpu.memory_space<vmem>> -> memref<256xi32, #tpu.memory_space<vmem>>
    %dma_wait3A_13 = arith.constant 0 : i32
    %dma_wait3A_14 = arith.constant 0 : i32
    %dma_wait3A_15 = tpu.memref_slice %arg2[%dma_wait3A_13, %dma_wait3A_14] : memref<352899x128xf32, #tpu.memory_space<hbm>> -> memref<352899x128xf32, #tpu.memory_space<hbm>>
    tpu.wait_indirect_dma semaphore(%arg8 : memref<!tpu.dma_semaphore, #tpu.memory_space<semaphore_mem>>) src(%dma_wait3A_15 : memref<352899x128xf32, #tpu.memory_space<hbm>>) dst(%arg6 : memref<256x128xf32, #tpu.memory_space<vmem>>)
    %add3A_16 = arith.constant 0 : i32
    %add3A_17 = arith.addi %mul3A_2, %add3A_16 : i32
    "tpu.region"() ({
      %run_scoped3A = tpu.sem_alloc : memref<!tpu.dma_semaphore, #tpu.memory_space<semaphore_mem>>
      %dma_start3A_25 = arith.constant 0 : i32
      %dma_start3A_26 = tpu.memref_slice %arg4[%add3A_17, %dma_start3A_25] : memref<16384x128xf32, #tpu.memory_space<hbm>> -> memref<256x128xf32, #tpu.memory_space<hbm>>
      %dma_start3A_27 = arith.constant 0 : i32
      %dma_start3A_28 = tpu.memref_slice %arg4[%add3A_17, %dma_start3A_27] : memref<16384x128xf32, #tpu.memory_space<hbm>> -> memref<256x128xf32, #tpu.memory_space<hbm>>
      tpu.enqueue_dma source(%arg6 : memref<256x128xf32, #tpu.memory_space<vmem>>) target(%dma_start3A_28 : memref<256x128xf32, #tpu.memory_space<hbm>>) target_semaphore(%run_scoped3A : memref<!tpu.dma_semaphore, #tpu.memory_space<semaphore_mem>>)
      %dma_wait3A_29 = arith.constant 0 : i32
      %dma_wait3A_30 = tpu.memref_slice %arg4[%add3A_17, %dma_wait3A_29] : memref<16384x128xf32, #tpu.memory_space<hbm>> -> memref<256x128xf32, #tpu.memory_space<hbm>>
      %dma_wait3A_31 = arith.constant 0 : i32
      %dma_wait3A_32 = tpu.memref_slice %arg4[%add3A_17, %dma_wait3A_31] : memref<16384x128xf32, #tpu.memory_space<hbm>> -> memref<256x128xf32, #tpu.memory_space<hbm>>
      tpu.wait_dma2 semaphore(%run_scoped3A : memref<!tpu.dma_semaphore, #tpu.memory_space<semaphore_mem>>) src(%arg6 : memref<256x128xf32, #tpu.memory_space<vmem>>) dst(%dma_wait3A_32 : memref<256x128xf32, #tpu.memory_space<hbm>>)
      tpu.yield
    }) : () -> ()
    %dma_wait3A_18 = arith.constant 256 : i32
    %dma_wait3A_19 = tpu.memref_slice %arg5[%dma_wait3A_18] : memref<512xi32, #tpu.memory_space<vmem>> -> memref<256xi32, #tpu.memory_space<vmem>>
    %dma_wait3A_20 = arith.constant 0 : i32
    %dma_wait3A_21 = arith.constant 0 : i32
    %dma_wait3A_22 = tpu.memref_slice %arg2[%dma_wait3A_20, %dma_wait3A_21] : memref<352899x128xf32, #tpu.memory_space<hbm>> -> memref<352899x128xf32, #tpu.memory_space<hbm>>
    tpu.wait_indirect_dma semaphore(%arg9 : memref<!tpu.dma_semaphore, #tpu.memory_space<semaphore_mem>>) src(%dma_wait3A_22 : memref<352899x128xf32, #tpu.memory_space<hbm>>) dst(%arg7 : memref<256x128xf32, #tpu.memory_space<vmem>>)
    %add3A_23 = arith.constant 256 : i32
    %add3A_24 = arith.addi %mul3A_2, %add3A_23 : i32
    "tpu.region"() ({
      %run_scoped3A = tpu.sem_alloc : memref<!tpu.dma_semaphore, #tpu.memory_space<semaphore_mem>>
      %dma_start3A_25 = arith.constant 0 : i32
      %dma_start3A_26 = tpu.memref_slice %arg4[%add3A_24, %dma_start3A_25] : memref<16384x128xf32, #tpu.memory_space<hbm>> -> memref<256x128xf32, #tpu.memory_space<hbm>>
      %dma_start3A_27 = arith.constant 0 : i32
      %dma_start3A_28 = tpu.memref_slice %arg4[%add3A_24, %dma_start3A_27] : memref<16384x128xf32, #tpu.memory_space<hbm>> -> memref<256x128xf32, #tpu.memory_space<hbm>>
      tpu.enqueue_dma source(%arg7 : memref<256x128xf32, #tpu.memory_space<vmem>>) target(%dma_start3A_28 : memref<256x128xf32, #tpu.memory_space<hbm>>) target_semaphore(%run_scoped3A : memref<!tpu.dma_semaphore, #tpu.memory_space<semaphore_mem>>)
      %dma_wait3A_29 = arith.constant 0 : i32
      %dma_wait3A_30 = tpu.memref_slice %arg4[%add3A_24, %dma_wait3A_29] : memref<16384x128xf32, #tpu.memory_space<hbm>> -> memref<256x128xf32, #tpu.memory_space<hbm>>
      %dma_wait3A_31 = arith.constant 0 : i32
      %dma_wait3A_32 = tpu.memref_slice %arg4[%add3A_24, %dma_wait3A_31] : memref<16384x128xf32, #tpu.memory_space<hbm>> -> memref<256x128xf32, #tpu.memory_space<hbm>>
      tpu.wait_dma2 semaphore(%run_scoped3A : memref<!tpu.dma_semaphore, #tpu.memory_space<semaphore_mem>>) src(%arg7 : memref<256x128xf32, #tpu.memory_space<vmem>>) dst(%dma_wait3A_32 : memref<256x128xf32, #tpu.memory_space<hbm>>)
      tpu.yield
    }) : () -> ()
    return
  }
}

module attributes {stable_mosaic.version = 14 : i64} {
  func.func @_tc_body(%arg0: i32, %arg1: memref<3x8192xf32, #tpu.memory_space<vmem>>, %arg2: memref<1x2x8192xi32, #tpu.memory_space<vmem>>, %arg3: memref<8192x128xf32, #tpu.memory_space<vmem>>, %arg4: memref<64x3xf32, #tpu.memory_space<vmem>>, %arg5: memref<64x1xf32, #tpu.memory_space<vmem>>, %arg6: memref<32x4xf32, #tpu.memory_space<vmem>>, %arg7: memref<32x8xf32, #tpu.memory_space<vmem>>, %arg8: memref<64x256xf32, #tpu.memory_space<vmem>>, %arg9: memref<64x1xf32, #tpu.memory_space<vmem>>, %arg10: memref<64x8192xf32, #tpu.memory_space<vmem>>) attributes {dimension_semantics = [#tpu.dimension_semantics<arbitrary>], iteration_bounds = array<i64: 2>, scalar_prefetch = 0 : i64, scratch_operands = 0 : i64, tpu.core_type = #tpu.core_type<tc>, window_params = [{transform_indices = @transform_0, window_bounds = array<i64: 3, 8192>}, {transform_indices = @transform_1, window_bounds = array<i64: 1, 2, 8192>}, {transform_indices = @transform_2, window_bounds = array<i64: 8192, 128>}, {pipeline_mode = #tpu.pipeline_mode<synchronous>, transform_indices = @transform_3, window_bounds = array<i64: 64, 3>}, {pipeline_mode = #tpu.pipeline_mode<synchronous>, transform_indices = @transform_4, window_bounds = array<i64: 64, 1>}, {pipeline_mode = #tpu.pipeline_mode<synchronous>, transform_indices = @transform_5, window_bounds = array<i64: 32, 4>}, {pipeline_mode = #tpu.pipeline_mode<synchronous>, transform_indices = @transform_6, window_bounds = array<i64: 32, 8>}, {pipeline_mode = #tpu.pipeline_mode<synchronous>, transform_indices = @transform_7, window_bounds = array<i64: 64, 256>}, {pipeline_mode = #tpu.pipeline_mode<synchronous>, transform_indices = @transform_8, window_bounds = array<i64: 64, 1>}, {transform_indices = @transform_9, window_bounds = array<i64: 64, 8192>}]} {
    %get3A = arith.constant 0 : index
    %get3A_0 = arith.constant 0 : index
    %get3A_1 = vector.load %arg4[%get3A, %get3A_0] : memref<64x3xf32, #tpu.memory_space<vmem>>, vector<64x3xf32>
    %get3A_2 = arith.constant 0 : index
    %get3A_3 = arith.constant 0 : index
    %get3A_4 = vector.load %arg1[%get3A_2, %get3A_3] : memref<3x8192xf32, #tpu.memory_space<vmem>>, vector<3x8192xf32>
    %dot_general3A = arith.constant dense<0.000000e+00> : vector<64x8192xf32>
    %dot_general3A_5 = tpu.matmul %get3A_1, %get3A_4, %dot_general3A {dimension_numbers = #tpu.dot_dimension_numbers<[1], [0], [0], [1], [0, 0, 1, 1], [], []>, transpose_lhs_hint = false} : vector<64x3xf32>, vector<3x8192xf32>, vector<64x8192xf32> -> vector<64x8192xf32>
    %get3A_6 = arith.constant 0 : index
    %get3A_7 = arith.constant 0 : index
    %get3A_8 = vector.load %arg5[%get3A_6, %get3A_7] : memref<64x1xf32, #tpu.memory_space<vmem>>, vector<64x1xf32>
    %add3A = vector.broadcast %get3A_8 : vector<64x1xf32> to vector<64x8192xf32>
    %add3A_9 = arith.addf %dot_general3A_5, %add3A : vector<64x8192xf32>
    %ge3A = arith.constant 0.000000e+00 : f32
    %ge3A_10 = vector.broadcast %ge3A : f32 to vector<64x8192xf32>
    %ge3A_11 = arith.cmpf oge, %add3A_9, %ge3A_10 : vector<64x8192xf32>
    %mul3A = arith.constant 0.00999999977 : f32
    %mul3A_12 = vector.broadcast %mul3A : f32 to vector<64x8192xf32>
    %mul3A_13 = arith.mulf %mul3A_12, %add3A_9 : vector<64x8192xf32>
    %select_n3A = arith.select %ge3A_11, %add3A_9, %mul3A_13 : vector<64x8192xi1>, vector<64x8192xf32>
    %get3A_14 = arith.constant 0 : index
    %get3A_15 = arith.constant 0 : index
    %get3A_16 = arith.constant 0 : index
    %get3A_17 = vector.load %arg2[%get3A_14, %get3A_15, %get3A_16] : memref<1x2x8192xi32, #tpu.memory_space<vmem>>, vector<1x2x8192xi32>
    %get3A_18 = vector.shape_cast %get3A_17 : vector<1x2x8192xi32> to vector<2x8192xi32>
    %slice3A = vector.extract_strided_slice %get3A_18 {offsets = [0, 0], sizes = [1, 8192], strides = [1, 1]} : vector<2x8192xi32> to vector<1x8192xi32>
    %iota3A = tpu.iota {dimensions = array<i32: 0>} : vector<4x8192xi32>
    %eq3A = vector.broadcast %slice3A : vector<1x8192xi32> to vector<4x8192xi32>
    %eq3A_19 = arith.cmpi eq, %eq3A, %iota3A : vector<4x8192xi32>
    %convert_element_type3A = arith.extui %eq3A_19 : vector<4x8192xi1> to vector<4x8192xi32>
    %convert_element_type3A_20 = arith.sitofp %convert_element_type3A : vector<4x8192xi32> to vector<4x8192xf32>
    %slice3A_21 = vector.extract_strided_slice %get3A_18 {offsets = [1, 0], sizes = [1, 8192], strides = [1, 1]} : vector<2x8192xi32> to vector<1x8192xi32>
    %iota3A_22 = tpu.iota {dimensions = array<i32: 0>} : vector<8x8192xi32>
    %eq3A_23 = vector.broadcast %slice3A_21 : vector<1x8192xi32> to vector<8x8192xi32>
    %eq3A_24 = arith.cmpi eq, %eq3A_23, %iota3A_22 : vector<8x8192xi32>
    %convert_element_type3A_25 = arith.extui %eq3A_24 : vector<8x8192xi1> to vector<8x8192xi32>
    %convert_element_type3A_26 = arith.sitofp %convert_element_type3A_25 : vector<8x8192xi32> to vector<8x8192xf32>
    %get3A_27 = arith.constant 0 : index
    %get3A_28 = arith.constant 0 : index
    %get3A_29 = vector.load %arg8[%get3A_27, %get3A_28] : memref<64x256xf32, #tpu.memory_space<vmem>>, vector<64x256xf32>
    %slice3A_30 = vector.extract_strided_slice %get3A_29 {offsets = [0, 64], sizes = [64, 32], strides = [1, 1]} : vector<64x256xf32> to vector<64x32xf32>
    %get3A_31 = arith.constant 0 : index
    %get3A_32 = arith.constant 0 : index
    %get3A_33 = vector.load %arg6[%get3A_31, %get3A_32] : memref<32x4xf32, #tpu.memory_space<vmem>>, vector<32x4xf32>
    %dot_general3A_34 = arith.constant dense<0.000000e+00> : vector<64x4xf32>
    %dot_general3A_35 = tpu.matmul %slice3A_30, %get3A_33, %dot_general3A_34 {dimension_numbers = #tpu.dot_dimension_numbers<[1], [0], [0], [1], [0, 0, 1, 1], [], []>, transpose_lhs_hint = false} : vector<64x32xf32>, vector<32x4xf32>, vector<64x4xf32> -> vector<64x4xf32>
    %slice3A_36 = vector.extract_strided_slice %get3A_29 {offsets = [0, 96], sizes = [64, 32], strides = [1, 1]} : vector<64x256xf32> to vector<64x32xf32>
    %get3A_37 = arith.constant 0 : index
    %get3A_38 = arith.constant 0 : index
    %get3A_39 = vector.load %arg7[%get3A_37, %get3A_38] : memref<32x8xf32, #tpu.memory_space<vmem>>, vector<32x8xf32>
    %dot_general3A_40 = arith.constant dense<0.000000e+00> : vector<64x8xf32>
    %dot_general3A_41 = tpu.matmul %slice3A_36, %get3A_39, %dot_general3A_40 {dimension_numbers = #tpu.dot_dimension_numbers<[1], [0], [0], [1], [0, 0, 1, 1], [], []>, transpose_lhs_hint = false} : vector<64x32xf32>, vector<32x8xf32>, vector<64x8xf32> -> vector<64x8xf32>
    %slice3A_42 = vector.extract_strided_slice %get3A_29 {offsets = [0, 0], sizes = [64, 64], strides = [1, 1]} : vector<64x256xf32> to vector<64x64xf32>
    %dot_general3A_43 = arith.constant dense<0.000000e+00> : vector<64x8192xf32>
    %dot_general3A_44 = tpu.matmul %slice3A_42, %select_n3A, %dot_general3A_43 {dimension_numbers = #tpu.dot_dimension_numbers<[1], [0], [0], [1], [0, 0, 1, 1], [], []>, transpose_lhs_hint = false} : vector<64x64xf32>, vector<64x8192xf32>, vector<64x8192xf32> -> vector<64x8192xf32>
    %dot_general3A_45 = arith.constant dense<0.000000e+00> : vector<64x8192xf32>
    %dot_general3A_46 = tpu.matmul %dot_general3A_35, %convert_element_type3A_20, %dot_general3A_45 {dimension_numbers = #tpu.dot_dimension_numbers<[1], [0], [0], [1], [0, 0, 1, 1], [], []>, transpose_lhs_hint = false} : vector<64x4xf32>, vector<4x8192xf32>, vector<64x8192xf32> -> vector<64x8192xf32>
    %add3A_47 = arith.addf %dot_general3A_44, %dot_general3A_46 : vector<64x8192xf32>
    %dot_general3A_48 = arith.constant dense<0.000000e+00> : vector<64x8192xf32>
    %dot_general3A_49 = tpu.matmul %dot_general3A_41, %convert_element_type3A_26, %dot_general3A_48 {dimension_numbers = #tpu.dot_dimension_numbers<[1], [0], [0], [1], [0, 0, 1, 1], [], []>, transpose_lhs_hint = false} : vector<64x8xf32>, vector<8x8192xf32>, vector<64x8192xf32> -> vector<64x8192xf32>
    %add3A_50 = arith.addf %add3A_47, %dot_general3A_49 : vector<64x8192xf32>
    %slice3A_51 = vector.extract_strided_slice %get3A_29 {offsets = [0, 128], sizes = [64, 128], strides = [1, 1]} : vector<64x256xf32> to vector<64x128xf32>
    %get3A_52 = arith.constant 0 : index
    %get3A_53 = arith.constant 0 : index
    %get3A_54 = vector.load %arg3[%get3A_52, %get3A_53] : memref<8192x128xf32, #tpu.memory_space<vmem>>, vector<8192x128xf32>
    %dot_general3A_55 = arith.constant dense<0.000000e+00> : vector<64x8192xf32>
    %dot_general3A_56 = tpu.matmul %slice3A_51, %get3A_54, %dot_general3A_55 {dimension_numbers = #tpu.dot_dimension_numbers<[1], [1], [0], [0], [0, 0, 1, 0], [], []>, transpose_lhs_hint = false} : vector<64x128xf32>, vector<8192x128xf32>, vector<64x8192xf32> -> vector<64x8192xf32>
    %add3A_57 = arith.addf %add3A_50, %dot_general3A_56 : vector<64x8192xf32>
    %get3A_58 = arith.constant 0 : index
    %get3A_59 = arith.constant 0 : index
    %get3A_60 = vector.load %arg9[%get3A_58, %get3A_59] : memref<64x1xf32, #tpu.memory_space<vmem>>, vector<64x1xf32>
    %add3A_61 = vector.broadcast %get3A_60 : vector<64x1xf32> to vector<64x8192xf32>
    %add3A_62 = arith.addf %add3A_57, %add3A_61 : vector<64x8192xf32>
    %tanh3A = math.tanh %add3A_62 : vector<64x8192xf32>
    %swap3A = arith.constant 0 : index
    %swap3A_63 = arith.constant 0 : index
    %swap3A_64 = vector.load %arg10[%swap3A, %swap3A_63] : memref<64x8192xf32, #tpu.memory_space<vmem>>, vector<64x8192xf32>
    tpu.vector_store %arg10[%swap3A, %swap3A_63], %tanh3A {strides = array<i32>} : memref<64x8192xf32, #tpu.memory_space<vmem>>, vector<64x8192xf32>,
    return
  }
  func.func @transform_0(%arg0: i32) -> (i32, i32) {
    %c0_i32 = arith.constant 0 : i32
    %c0_i32_0 = arith.constant 0 : i32
    return %c0_i32, %arg0 : i32, i32
  }
  func.func @transform_1(%arg0: i32) -> (i32, i32, i32) {
    %c0_i32 = arith.constant 0 : i32
    %c0_i32_0 = arith.constant 0 : i32
    %c0_i32_1 = arith.constant 0 : i32
    return %arg0, %c0_i32, %c0_i32_0 : i32, i32, i32
  }
  func.func @transform_2(%arg0: i32) -> (i32, i32) {
    %c0_i32 = arith.constant 0 : i32
    %c0_i32_0 = arith.constant 0 : i32
    return %arg0, %c0_i32 : i32, i32
  }
  func.func @transform_3(%arg0: i32) -> (i32, i32) {
    %c0_i32 = arith.constant 0 : i32
    %c0_i32_0 = arith.constant 0 : i32
    %c0_i32_1 = arith.constant 0 : i32
    return %c0_i32, %c0_i32_0 : i32, i32
  }
  func.func @transform_4(%arg0: i32) -> (i32, i32) {
    %c0_i32 = arith.constant 0 : i32
    %c0_i32_0 = arith.constant 0 : i32
    %c0_i32_1 = arith.constant 0 : i32
    return %c0_i32, %c0_i32_0 : i32, i32
  }
  func.func @transform_5(%arg0: i32) -> (i32, i32) {
    %c0_i32 = arith.constant 0 : i32
    %c0_i32_0 = arith.constant 0 : i32
    %c0_i32_1 = arith.constant 0 : i32
    return %c0_i32, %c0_i32_0 : i32, i32
  }
  func.func @transform_6(%arg0: i32) -> (i32, i32) {
    %c0_i32 = arith.constant 0 : i32
    %c0_i32_0 = arith.constant 0 : i32
    %c0_i32_1 = arith.constant 0 : i32
    return %c0_i32, %c0_i32_0 : i32, i32
  }
  func.func @transform_7(%arg0: i32) -> (i32, i32) {
    %c0_i32 = arith.constant 0 : i32
    %c0_i32_0 = arith.constant 0 : i32
    %c0_i32_1 = arith.constant 0 : i32
    return %c0_i32, %c0_i32_0 : i32, i32
  }
  func.func @transform_8(%arg0: i32) -> (i32, i32) {
    %c0_i32 = arith.constant 0 : i32
    %c0_i32_0 = arith.constant 0 : i32
    %c0_i32_1 = arith.constant 0 : i32
    return %c0_i32, %c0_i32_0 : i32, i32
  }
  func.func @transform_9(%arg0: i32) -> (i32, i32) {
    %c0_i32 = arith.constant 0 : i32
    %c0_i32_0 = arith.constant 0 : i32
    return %c0_i32, %arg0 : i32, i32
  }
}

</mosaic_0001>

<sc_bundles>
// kernel: kernel.4.cloned.1.call-start
scs
__scs_entry_jumppad:
0x0: {  	(pc) =	sbr.rel $0x88, $3  }
0x1: {  	(tag) =	ssettag $0x0;
	lr =	simm.s32 $0x1  }
0x2: {  	[smem:$0x3F96] =	sst lr;
	_ =	strace $0xD0000000  }
0x3: {  	_ = 	snop  }
0x4: {  	_ = 	snop  }
0x5: {  	_ = 	snop  }
0x6: {  	_ = 	snop  }
0x7: {  	_ = 	snop  }
__scs_overlays_trampoline_lowered:
0x8: {  	[smem:$0x3FA5] =	sst s0  }
0x9: {  	[smem:$0x3FA6] =	sst s1  }
0xa: {  	[smem:$0x3FA7] =	sst s2  }
0xb: {  	[smem:$0x3FA8] =	sst s3  }
0xc: {  	[smem:$0x3FA9] =	sst s4  }
0xd: {  	[smem:$0x3FAA] =	sst s5  }
0xe: {  	[smem:$0x3FAB] =	sst s6  }
0xf: {  	[smem:$0x3FAC] =	sst s7  }
0x10: {  	[smem:$0x3FAD] =	sst s8  }
0x11: {  	[smem:$0x3FAE] =	sst s9;
	s0 =	simm.s32 @!p0 $0x0  }
0x12: {  	s1 =	sld [smem:$0x3F94];
	s0 =	simm.s32 @p0 $0x1  }
0x13: {  	[smem:$0x3FAF] =	sst s0;
	s0 =	simm.s32 @!p1 $0x0  }
0x14: {  	s2 =	sld [smem:$0x3F93];
	s0 =	simm.s32 @p1 $0x1  }
0x15: {  	[smem:$0x3FB0] =	sst s0;
	s0 =	simm.s32 @!p2 $0x0  }
0x16: {  	s3 =	sld [smem:$0x3FDB];
	s0 =	simm.s32 @p2 $0x1  }
0x17: {  	s4 =	simm.s32 $0x1BF5;
	[smem:$0x3FB2] =	sst s0  }
0x18: {  	s0 =	sld [smem:$0x3F95];
	_ =	swait.ge [sflag:s4], $0x0  }
0x19: {  	s7 =	sld [smem:$0x3F96]  }
0x1a: {  	s8 =	sadd.s32 $0xFFFFE003, lr  }
0x1b: {  	s9 =	sadd.s32 $0xFFFFFEF7, lr;
	s5 =	simm.s32 $0xFFFFFFFF;
	p2 =	slt.u32 s8, $0xFFFFF086  }
0x1c: {  	p1 =	slt.u32 s9, $0xF7A;
	s5 =	simm.s32 @!p2 $0x0  }
0x1d: {  	s5 =	simm.s32 @p1 $0x1;
	p0 =	seq.s32 s7, s2  }
0x1e: {  	s7 =	smul.u32 @!p0 $0xF7A, s2;
	p2 =	seq.s32 @!p0 s5, $0x0  }
0x1f: {  	s9 =	smul.u32 $0xF7A, s1;
	s8 =	simm.s32 @!p0 $0x1BF5;
	p2 =	por !p2, p0  }
0x20: {  	[sflag:s8] =	ssyncset.s32 @!p0 $0xFFFFF086;
	s6 =	sadd.s32 @!p0 s3, s7;
	s7 =	simm.s32 @!p0 $0x108  }
0x21: {  	s3 =	sadd.s32 s3, s9;
	s6 =	sadd.s32 @!p0 $0x88, s6;
	s7 =	simm.s32 @p2 $0x1082  }
0x22: {  	[simem:s7], [sflag:s8] =	dma.local @!p0 [hbm:s6], $0xF7A  }
0x23: {  	s9 =	sor.u32 $0xD0000000, s2;
	s6 =	simm.s32 $0x108;
	_ =	swait.ge @!p0 [sflag:s8], $0x0  }
0x24: {  	s3 =	sadd.s32 $0x88, s3;
	s6 =	simm.s32 @!p1 $0x1082;
	[sflag:s4] =	ssyncset.s32 $0xFFFFF086  }
0x25: {  	[simem:s6], [sflag:s4] =	dma.local [hbm:s3], $0xF7A  }
0x26: {  	[smem:$0x3F96] =	sst s1;
	(tag) =	ssettag s2;
	_ =	strace s9  }
0x27: {  	s1 =	sld [smem:$0x3FA6]  }
0x28: {  	s2 =	sld [smem:$0x3FA7]  }
0x29: {  	s4 =	sld [smem:$0x3FA9]  }
0x2a: {  	p0 =	seq.s32 s5, $0x0;
	s5 =	sld [smem:$0x3FAA]  }
0x2b: {  	s6 =	sld [smem:$0x3FAB]  }
0x2c: {  	s7 =	sld [smem:$0x3FAC]  }
0x2d: {  	s3 =	simm.s32 $0x108;
	s8 =	sld [smem:$0x3FAD]  }
0x2e: {  	s3 =	simm.s32 @!p0 $0x1082;
	s9 =	sld [smem:$0x3FAE]  }
0x2f: {  	lr =	sadd.s32 s0, s3;
	s0 =	sld [smem:$0x3FA5]  }
0x30: {  	s3 =	sld [smem:$0x3FA8]  }
0x31: {  	[smem:$0x3FB1] =	sst s10  }
0x32: {  	s10 =	sld [smem:$0x3FAF];
	_ =	sdelay $0x3  }
0x33: {  	p0 =	seq.s32 s10, $0x1;
	s10 =	sld [smem:$0x3FB1];
	_ =	sdelay $0x3  }
0x34: {  	[smem:$0x3FB1] =	sst s10  }
0x35: {  	s10 =	sld [smem:$0x3FB0];
	_ =	sdelay $0x3  }
0x36: {  	p1 =	seq.s32 s10, $0x1;
	s10 =	sld [smem:$0x3FB1];
	_ =	sdelay $0x3  }
0x37: {  	[smem:$0x3FB1] =	sst s10  }
0x38: {  	s10 =	sld [smem:$0x3FB2]  }
0x39: {  	_ = 	snop;
	(pc) =	sbr.ind lr, $3  }
0x3a: {  	_ = 	snop  }
0x3b: {  	_ = 	snop  }
0x3c: {  	p2 =	seq.s32 s10, $0x1;
	s10 =	sld [smem:$0x3FB1]  }
0x3d: {  	_ =	shalt  }
0x3e: {  	_ =	shalt  }
0x3f: {  	_ =	shalt  }
0x40: {  	_ =	shalt  }
0x41: {  	_ =	shalt  }
0x42: {  	_ =	shalt  }
0x43: {  	_ =	shalt  }
0x44: {  	_ =	shalt  }
0x45: {  	_ =	shalt  }
0x46: {  	_ =	shalt  }
0x47: {  	_ =	shalt  }
0x48: {  	_ =	shalt  }
0x49: {  	_ =	shalt  }
0x4a: {  	_ =	shalt  }
0x4b: {  	_ =	shalt  }
0x4c: {  	_ =	shalt  }
0x4d: {  	_ =	shalt  }
0x4e: {  	_ =	shalt  }
0x4f: {  	_ =	shalt  }
0x50: {  	_ =	shalt  }
0x51: {  	_ =	shalt  }
0x52: {  	_ =	shalt  }
0x53: {  	_ =	shalt  }
0x54: {  	_ =	shalt  }
0x55: {  	_ =	shalt  }
0x56: {  	_ =	shalt  }
0x57: {  	_ =	shalt  }
0x58: {  	_ =	shalt  }
0x59: {  	_ =	shalt  }
0x5a: {  	_ =	shalt  }
0x5b: {  	_ =	shalt  }
0x5c: {  	_ =	shalt  }
0x5d: {  	_ =	shalt  }
0x5e: {  	_ =	shalt  }
0x5f: {  	_ =	shalt  }
0x60: {  	_ =	shalt  }
0x61: {  	_ =	shalt  }
0x62: {  	_ =	shalt  }
0x63: {  	_ =	shalt  }
0x64: {  	_ =	shalt  }
0x65: {  	_ =	shalt  }
0x66: {  	_ =	shalt  }
0x67: {  	_ =	shalt  }
0x68: {  	_ =	shalt  }
0x69: {  	_ =	shalt  }
0x6a: {  	_ =	shalt  }
0x6b: {  	_ =	shalt  }
0x6c: {  	_ =	shalt  }
0x6d: {  	_ =	shalt  }
0x6e: {  	_ =	shalt  }
0x6f: {  	_ =	shalt  }
0x70: {  	_ =	shalt  }
0x71: {  	_ =	shalt  }
0x72: {  	_ =	shalt  }
0x73: {  	_ =	shalt  }
0x74: {  	_ =	shalt  }
0x75: {  	_ =	shalt  }
0x76: {  	_ =	shalt  }
0x77: {  	_ =	shalt  }
0x78: {  	_ =	shalt  }
0x79: {  	_ =	shalt  }
0x7a: {  	_ =	shalt  }
0x7b: {  	_ =	shalt  }
0x7c: {  	_ =	shalt  }
0x7d: {  	_ =	shalt  }
0x7e: {  	_ =	shalt  }
0x7f: {  	_ =	shalt  }
0x80: {  	_ =	shalt  }
0x81: {  	_ =	shalt  }
0x82: {  	_ =	shalt  }
0x83: {  	_ =	shalt  }
0x84: {  	_ =	shalt  }
0x85: {  	_ =	shalt  }
0x86: {  	_ =	shalt  }
0x87: {  	_ =	shalt  }
.Lfunc_end0:
.L_simem_size_0:
called_computation_lowered:
.L_overlay_start_0:
0x88: {  	s2 =	sld [smem:$0x3FD9]  }
0x89: {  	s3 =	sld [smem:$0x3FFE];
	_ =	sdelay $0x1  }
0x8a: {  	s1 =	srdreg.scid  }
0x8b: {  	s0 =	sand.u32 $0x1, s1  }
0x8c: {  	s17 =	sshll.u32 s0, $0xA;
	s2 =	sadd.s32 s3, s2  }
0x8d: {  	s2 =	sadd.s32 s2, s17  }
0x8e: {  	[smem:$0x3FBD] =	sst s2  }
0x8f: {  	_ = 	snop  }
0x90: {  	s2 =	sld [smem:$0x3FC6]  }
0x91: {  	s18 =	sld [smem:$0x3FC1];
	(tm) =	ssettm $0x1  }
0x92: {  	s4 =	sld [smem:$0x3FFB];
	_ =	sdelay $0x3  }
0x93: {  	_ =	strace s4  }
0x94: {  	s4 =	sld [smem:$0x3FFC];
	_ =	sdelay $0x3  }
0x95: {  	_ =	strace s4  }
0x96: {  	s4 =	sld [smem:$0x3FFD];
	_ =	sdelay $0x3  }
0x97: {  	_ =	strace s4  }
0x98: {  	_ =	strace $0x8FFFFFFF  }
0x99: {  	s19 =	sld [smem:$0x3FDB];
	_ =	sdelay $0x1  }
0x9a: {  	s5 =	simm.s32 $_scs_section_size  }
0x9b: {  	s6 =	simm.s32 $_size__tile_overlayer_lowered;
	s7 =	simm.s32 $_tile_overlayer_lowered  }
0x9c: {  	s22 =	simm.s32 $0x1BFF;
	s21 =	sshll.u32 s7, $0x1;
	s4 =	sadd.s32 s5, s19  }
0x9d: {  	s8 =	simm.s32 $0x0;
	s20 =	sshll.u32 s6, $0x1;
	s6 =	sadd.s32 s21, s4  }
0x9e: {  	[timem:s8], [sflag:s22] =	dma.local [hbm:s6], s20  }
0x9f: {  	_ =	swait.ge [sflag:s22], s20  }
0xa0: {  	s5 =	ssub.s32 $0x0, s20;
	[sflag:s22] =	ssyncset.done $0x0  }
0xa1: {  	[sflag:s22] =	ssyncadd.s32 s5;
	_ =	sdelay $0x1  }
0xa2: {  	s23 =	simm.s32 $0x1B8B  }
0xa3: {  	_ =	swait.ge [sflag:s23], $0x1  }
0xa4: {  	[sflag:s23] =	ssyncset.done $0x0  }
0xa5: {  	s25 =	simm.s32 $0x1B8E;
	s24 =	sld [smem:$0x3FFE];
	[sflag:s23] =	ssyncadd.s32 $0xFFFFFFFF  }
0xa6: {  	s26 =	simm.s32 $execute0_lowered;
	[smem:$0x3FD2] =	sst s25  }
0xa7: {  	s6 =	sshll.u32 s26, $0x1;
	_ =	strace $0x80000046;
	[dreg:$0x1] =	wrdreg $0xFFFFFFFF  }
0xa8: {  	s28 =	simm.s32 $_size_execute0_lowered;
	s4 =	sadd.s32 s4, s6;
	[dreg:$0x0] =	wrdreg $0x0  }
0xa9: {  	s6 =	sshll.u32 s28, $0x1;
	[dreg:$0x2] =	wrdreg s4  }
0xaa: {  	[dreg:$0x3] =	wrdreg s6  }
0xab: {  	[dreg:$0x4] =	wrdreg $0xC0  }
0xac: {  	_ =	task [dreg:s8], $0x5FFFF  }
0xad: {  	[dreg:$0x1] =	wrdreg $0xFFFFFFFF  }
0xae: {  	[dreg:$0x0] =	wrdreg $0x60  }
0xaf: {  	[dreg:$0x2] =	wrdreg s18  }
0xb0: {  	[dreg:$0x3] =	wrdreg s2  }
0xb1: {  	[dreg:$0x4] =	wrdreg s24  }
0xb2: {  	[dreg:$0x5] =	wrdreg $0x9  }
0xb3: {  	_ =	task.clear_ibuf [dreg:s8], $0x6FFFF;
	_ =	strace $0x90000046  }
0xb4: {  	s29 =	simm.s32 $0x9;
	_ =	strace $0x80000048  }
0xb5: {  	_ =	swait.ge [sflag:s29], $0x1  }
0xb6: {  	[sflag:s29] =	ssyncadd.s32 $0xFFFFFFFF  }
0xb7: {  	_ =	strace $0x90000048  }
0xb8: {  	_ =	sfence  }
0xb9: {  	s30 =	sld [smem:$0x0];
	_ =	sdelay $0x2  }
0xba: {  	s31 =	sshll.u32 s1, $0xD;
	s1 =	sshrl.u32 s1, $0x2  }
0xbb: {  	s3 =	sand.u32 $0x4000, s31;
	s1 =	sadd.s32 s1, s30  }
0xbc: {  	s0 =	sor.u32 s3, s0;
	s1 =	sshll.u32 s1, $0x11  }
0xbd: {  	s0 =	sor.u32 s1, s0  }
0xbe: {  	s0 =	sadd.s32 $0x8F2B, s0  }
0xbf: {  	[sflag:s0] =	ssyncadd.remote.s32 $0x1  }
0xc0: {  	_ =	sfence.sel $0xFFFF  }
0xc1: {  	[dreg:$0x0] =	wrdreg $0xFFFFFFFF;
	(pc) =	sbr.abs _section_cstart, $3  }
0xc2: {  	[dreg:$0x1] =	wrdreg $0xFFFFFFFF  }
0xc3: {  	_ =	task.clear_ibuf [dreg:s8], $0x2FFFF;
	_ =	strace $0x9FFFFFFF  }
0xc4: {  	(tm) =	ssettm $0x7FFFFFFF  }
0xc5: {  	_ =	shalt  }
tec
execute0_lowered:
.L_overlay_start_1:
0x0: {  	(tag) =	ssettag $0x1  }
0x1: {  	s1 =	rddreg [dreg:$0x0];
	s2 =	srdreg.scid  }
0x2: {  	s4 =	rddreg [dreg:$0x1];
	s0 =	stileid.u32;
	s11 =	sand.u32 $0x1, s2  }
0x3: {  	s10 =	rddreg [dreg:$0x2];
	s5 =	sshll.u32 s0, $0xA;
	s6 =	sshll.u32 s11, $0x9  }
0x4: {  	s3 =	simm.s32 $0x0;
	s2 =	rddreg [dreg:$0x3];
	s12 =	sor.u32 s6, s5  }
0x5: {  	[smem:$0x7FF] =	sst s3;
	s5 =	sshrl.u32 s12, $0x3  }
0x6: {  	_ =	strace $0x80000047;
	s5 =	sadd.s32 s4, s5;
	s4 =	simm.s32 $0x3  }
0x7: {  	[tilespmem:s3], [sflag:$0x3] =	stream.linear.gather [hbm4b:s5+s3], $0x200, $0x38;
	[tilespmem:$0x10200] =	vst v63  }
0x8: {  	_ =	swait.ge [sflag:s4], $0x200  }
0x9: {  	[sflag:s4] =	ssyncset.done $0x0  }
0xa: {  	s7 =	simm.s32 $0x200;
	s6 =	simm.s32 $0x100;
	[sflag:s4] =	ssyncadd.s32 $0xFFFFFE00  }
0xb: {  	[tilespmem:s7], [sflag:$0x1] =	stream.indirect.gather [hbm4b:s1+s6], $0x80, s3, s6, $0xb8;
	[tilespmem:$0x10200] =	vst v63  }
0xc: {  	s8 =	simm.s32 $0x8200;
	s9 =	simm.s32 $0x1  }
0xd: {  	[tilespmem:s8], [sflag:$0x2] =	stream.indirect.gather [hbm4b:s1+s6], $0x80, s6, s6, $0xb8;
	[tilespmem:$0x10200] =	vst v63  }
0xe: {  	s12 =	sshll.u32 s12, $0x4;
	_ =	swait.ge [sflag:s9], $0x8000  }
0xf: {  	s12 =	sadd.s32 s12, s10;
	[sflag:s9] =	ssyncset.done $0x0  }
0x10: {  	s13 =	ssub.s32 $0x2, s11;
	s10 =	sadd.s32 $0x1400, s12;
	[sflag:s9] =	ssyncadd.s32 $0xFFFF8000  }
0x11: {  	[hbm4b:s10+s3] =	stream.linear.scatter [tilespmem:s7], [sflag:$0x3], $0x8000, $0x38;
	[tilespmem:$0x10200] =	vst v63  }
0x12: {  	s14 =	sshrl.u32 s13, $0x1;
	_ =	swait.ge [sflag:s4], $0x8000  }
0x13: {  	s13 =	ssub.s32 s13, s14;
	[sflag:s4] =	ssyncset.done $0x0  }
0x14: {  	s11 =	simm.s32 $0x2;
	s13 =	smax.u32 s13, $0x1;
	[sflag:s4] =	ssyncadd.s32 $0xFFFF8000  }
0x15: {  	p0 =	sne.s32 s13, $0x1;
	_ =	swait.ge [sflag:s11], $0x8000  }
.Ltmp0:
0x16: {  	[sflag:s11] =	ssyncset.done $0x0;
	(pc) =	sbr.rel @!p0 .LBB2_2-.Ltmp0, $4  }
0x17: {  	s12 =	sadd.s32 $0x2400, s12;
	[sflag:s11] =	ssyncadd.s32 $0xFFFF8000  }
0x18: {  	[hbm4b:s12+s3] =	stream.linear.scatter [tilespmem:s8], [sflag:$0x3], $0x8000, $0x38;
	[tilespmem:$0x10200] =	vst v63  }
0x19: {  	_ =	swait.ge [sflag:s4], $0x8000  }
0x1a: {  	s13 =	sadd.s32 $0xFFFFFFFF, s13;
	[sflag:s4] =	ssyncset.done $0x0  }
.LBB2_1:
0x1b: {  	p0 =	sne.s32 s13, $0x1;
	s13 =	sadd.s32 $0xFFFFFFFF, s13;
	[sflag:s4] =	ssyncadd.s32 $0xFFFF8000  }
0x1c: {  	[tilespmem:s3], [sflag:$0x3] =	stream.linear.gather [hbm4b:s5+s3], $0x200, $0x38;
	[tilespmem:$0x10200] =	vst v63  }
0x1d: {  	_ =	swait.ge [sflag:s4], $0x200  }
0x1e: {  	[sflag:s4] =	ssyncset.done $0x0  }
0x1f: {  	[sflag:s4] =	ssyncadd.s32 $0xFFFFFE00  }
0x20: {  	[tilespmem:s7], [sflag:$0x1] =	stream.indirect.gather [hbm4b:s1+s6], $0x80, s3, s6, $0xb8;
	[tilespmem:$0x10200] =	vst v63  }
0x21: {  	_ = 	snop  }
0x22: {  	[tilespmem:s8], [sflag:$0x2] =	stream.indirect.gather [hbm4b:s1+s6], $0x80, s6, s6, $0xb8;
	[tilespmem:$0x10200] =	vst v63  }
0x23: {  	_ =	swait.ge [sflag:s9], $0x8000  }
0x24: {  	[sflag:s9] =	ssyncset.done $0x0  }
0x25: {  	[sflag:s9] =	ssyncadd.s32 $0xFFFF8000  }
0x26: {  	[hbm4b:s10+s3] =	stream.linear.scatter [tilespmem:s7], [sflag:$0x3], $0x8000, $0x38;
	[tilespmem:$0x10200] =	vst v63  }
0x27: {  	_ =	swait.ge [sflag:s4], $0x8000  }
0x28: {  	[sflag:s4] =	ssyncset.done $0x0  }
0x29: {  	[sflag:s4] =	ssyncadd.s32 $0xFFFF8000  }
0x2a: {  	_ =	swait.ge [sflag:s11], $0x8000  }
.Ltmp1:
0x2b: {  	[sflag:s11] =	ssyncset.done $0x0;
	(pc) =	sbr.rel @p0 .LBB2_1-.Ltmp1, $4  }
0x2c: {  	[sflag:s11] =	ssyncadd.s32 $0xFFFF8000  }
0x2d: {  	[hbm4b:s12+s3] =	stream.linear.scatter [tilespmem:s8], [sflag:$0x3], $0x8000, $0x38;
	[tilespmem:$0x10200] =	vst v63  }
0x2e: {  	_ =	swait.ge [sflag:s4], $0x8000  }
0x2f: {  	[sflag:s4] =	ssyncset.done $0x0  }
.LBB2_2:
0x30: {  	[sflag:s4] =	ssyncadd.s32 $0xFFFF8000  }
0x31: {  	_ =	sfence.sel $0x180000  }
0x32: {  	[bflag:$0x0] =	sbarrier.arrive $0xFFFF  }
0x33: {  	p0 =	sne.s32 s0, $0x0;
	_ =	strace $0x90000047  }
0x34: {  	s0 =	sadd.s32 @!p0 $0x100000, s2;
	[bflag:$0x2] =	sbarrier.arrive $0xFFFF  }
0x35: {  	[sflag:s0] =	ssyncadd.tile.s32 @!p0 $0x1;
	_ =	shalt  }
.Lfunc_end2:
_tile_overlayer_lowered:
.L_overlay_start_2:
0x36: {  	(tag) =	ssettag $0x2  }
0x37: {  	s0 =	rddreg [dreg:$0x0];
	s2 =	stileid.u32  }
0x38: {  	s1 =	rddreg [dreg:$0x1];
	p0 =	sne.s32 s2, $0x0  }
0x39: {  	s3 =	rddreg [dreg:$0x2];
	[bflag:$0x3] =	sbarrier.arrive $0xFFFF;
	s2 =	simm.s32 @!p0 $0x1C03  }
0x3a: {  	[timem:s3], [sflag:s2] =	dma.local @!p0 [hbm:s0], s1  }
0x3b: {  	s0 =	simm.s32 @!p0 $0x3  }
0x3c: {  	_ =	swait.ge @!p0 [sflag:s0], s1  }
0x3d: {  	s1 =	ssub.s32 @!p0 $0x0, s1;
	[sflag:s0] =	ssyncset.done @!p0 $0x0  }
0x3e: {  	[sflag:s0] =	ssyncadd.s32 @!p0 s1  }
0x3f: {  	[bflag:$0x3] =	sbarrier.arrive $0xFFFF  }
0x40: {  	_ =	shalt  }

</sc_bundles>
